<compile_context>
chip_gen: v7x
topology: tpu7x:2x2x1
jax: 0.10.2.dev20260603
libtpu: 0.0.44.dev20260713+nightly
codegen_flags: <defaults>
</compile_context>

<pallas_src>
import functools

import jax
import jax.numpy as jnp
from jax import lax
from jax.experimental import pallas as pl
from jax.experimental.pallas import tpu as pltpu
from jax.experimental.pallas import tpu_sc as plsc

_LANES = 16
_NC = 2
_NS = 16
_NW = _NC * _NS

_K = 4096
_SEARCH_STEPS = 12
_G = 32768
_CPW = _G // _NS
_CHUNK = 32768


@functools.lru_cache(maxsize=None)
def _make_interp(n):
    per_w = n // _NW
    assert per_w * _NW == n and per_w % _CHUNK == 0
    n_chunks = per_w // _CHUNK
    mesh = plsc.VectorSubcoreMesh(core_axis_name="c", subcore_axis_name="s")

    @functools.partial(
        pl.kernel,
        out_type=jax.ShapeDtypeStruct((n,), jnp.float32),
        mesh=mesh,
        compiler_params=pltpu.CompilerParams(needs_layout_passes=False),
        scratch_types=[
            pltpu.VMEM((_K,), jnp.float32),
            pltpu.VMEM((_K,), jnp.float32),
            pltpu.VMEM((_K,), jnp.float32),
            pltpu.VMEM((_G,), jnp.int32),
            pltpu.VMEM((_CPW + _LANES,), jnp.int32),
            pltpu.VMEM((_CPW,), jnp.int32),
            pltpu.VMEM_SHARED((_G,), jnp.int32),
            pltpu.VMEM((_CHUNK,), jnp.float32),
            pltpu.VMEM((_CHUNK,), jnp.float32),
        ],
    )
    def interp(xs_hbm, ys_hbm, x_hbm, out_hbm, xs_v, ys_v, slopes_v,
               tab_v, raw_v, pack_v, tab_sh, xin_v, xout_v):
        cid = lax.axis_index("c")
        sid = lax.axis_index("s")
        wid = sid * _NC + cid
        iota = lax.iota(jnp.int32, _LANES)

        pltpu.sync_copy(xs_hbm, xs_v)
        pltpu.sync_copy(ys_hbm, ys_v)

        def build_body(i, _):
            ids = i * _LANES + iota
            ids1 = jnp.minimum(ids + 1, _K - 1)
            x0 = plsc.load_gather(xs_v, [ids])
            x1 = plsc.load_gather(xs_v, [ids1])
            y0 = plsc.load_gather(ys_v, [ids])
            y1 = plsc.load_gather(ys_v, [ids1])
            slopes_v[pl.ds(i * _LANES, _LANES)] = (y1 - y0) / (x1 - x0)
            return 0

        lax.fori_loop(0, _K // _LANES, build_body, 0)

        def grid_body(v, _):
            p = sid * _CPW + v * _LANES + iota
            gf = p.astype(jnp.float32) * (1.0 / _G)
            lo = jnp.zeros((_LANES,), jnp.int32)
            hi = jnp.full((_LANES,), _K, jnp.int32)
            for _step in range(_SEARCH_STEPS):
                mid = (lo + hi) >> 1
                xm = plsc.load_gather(xs_v, [mid])
                pred = gf >= xm
                lo = jnp.where(pred, mid, lo)
                hi = jnp.where(pred, hi, mid)
            raw_v[pl.ds(v * _LANES, _LANES)] = lo
            return 0

        lax.fori_loop(0, _CPW // _LANES + 1, grid_body, 0)

        def pack_body(v, _):
            ids = v * _LANES + iota
            l0 = raw_v[pl.ds(v * _LANES, _LANES)]
            l1 = plsc.load_gather(raw_v, [ids + 1])
            pack_v[pl.ds(v * _LANES, _LANES)] = l0 | ((l1 + 1 - l0) << 16)
            return 0

        lax.fori_loop(0, _CPW // _LANES, pack_body, 0)
        pltpu.sync_copy(pack_v, tab_sh.at[pl.ds(sid * _CPW, _CPW)])
        plsc.subcore_barrier()
        pltpu.sync_copy(tab_sh, tab_v)

        def process_chunk(ci, _):
            base = wid * per_w + ci * _CHUNK
            pltpu.sync_copy(x_hbm.at[pl.ds(base, _CHUNK)], xin_v)

            def vec_body(j, _):
                xv = xin_v[pl.ds(j * _LANES, _LANES)]
                c = (xv * float(_G)).astype(jnp.int32)
                e = plsc.load_gather(tab_v, [c])
                lo = e & 0xFFFF
                hi = lo + (e >> 16)

                def cond(carry):
                    l, h = carry
                    return jnp.any(h - l > 1)

                def bstep(carry):
                    l, h = carry
                    mid = (l + h) >> 1
                    xm = plsc.load_gather(xs_v, [mid])
                    pred = xv >= xm
                    return jnp.where(pred, mid, l), jnp.where(pred, h, mid)

                lo, hi = lax.while_loop(cond, bstep, (lo, hi))
                x0 = plsc.load_gather(xs_v, [lo])
                y0 = plsc.load_gather(ys_v, [lo])
                s = plsc.load_gather(slopes_v, [lo])
                xout_v[pl.ds(j * _LANES, _LANES)] = y0 + s * (xv - x0)
                return 0

            lax.fori_loop(0, _CHUNK // _LANES, vec_body, 0)
            pltpu.sync_copy(xout_v, out_hbm.at[pl.ds(base, _CHUNK)])
            return 0

        lax.fori_loop(0, n_chunks, process_chunk, 0)

    return interp


def kernel(xs, ys, x):
    return _make_interp(x.shape[0])(xs, ys, x)

# --- scband reference (transcript-rebuilt; emitter-appended) ---
"""Pipeline reference for scband-linear-interpolator-66795331387424 (READ-ONLY COPY).

The authoritative reference and input builder live on the scoring server;
editing this copy changes nothing except your own understanding.
"""

import jax, jax.numpy as jnp
import numpy as np

K = 4096
N = 8388608

def setup_inputs(seed: int = 0) -> dict:
    key = jax.random.key(seed)
    k1, k2, k3 = jax.random.split(key, 3)
    # xs must be sorted (searchsorted precondition); force endpoints to cover the
    # query range [0, 1) so idx = searchsorted(..., right) - 1 is always in [0, K-2].
    xs = jnp.sort(jax.random.uniform(k1, (K,), dtype=jnp.float32))
    xs = xs.at[0].set(0.0).at[-1].set(1.0)
    ys = jax.random.normal(k2, (K,), dtype=jnp.float32)
    x = jax.random.uniform(k3, (N,), dtype=jnp.float32)
    return {"xs": xs, "ys": ys, "x": x}

def reference(xs, ys, x):
    # slopes computed in __init__ of the torch module
    slopes = (ys[1:] - ys[:-1]) / (xs[1:] - xs[:-1])
    # __getitem__: binary search + gather + fused multiply-add
    idx = jnp.searchsorted(xs, x, side='right') - 1
    return ys[idx] + slopes[idx] * (x - xs[idx])

if __name__ == "__main__":
    import jax
    _d = setup_inputs()
    print(jax.jit(kernel)(*tuple(_d.values())))

</pallas_src>

<mosaic_0001>
#map = affine_map<(d0, d1) -> (0)>
module attributes {stable_mosaic.version = 14 : i64} {
  func.func @interp(%arg0: i32, %arg1: i32, %arg2: memref<4096xf32, #tpu.memory_space<hbm>>, %arg3: memref<4096xf32, #tpu.memory_space<hbm>>, %arg4: memref<8388608xf32, #tpu.memory_space<hbm>>, %arg5: memref<8388608xf32, #tpu.memory_space<hbm>>, %arg6: memref<4096xf32, #tpu.memory_space<vmem>>, %arg7: memref<4096xf32, #tpu.memory_space<vmem>>, %arg8: memref<4096xf32, #tpu.memory_space<vmem>>, %arg9: memref<32768xi32, #tpu.memory_space<vmem>>, %arg10: memref<2064xi32, #tpu.memory_space<vmem>>, %arg11: memref<2048xi32, #tpu.memory_space<vmem>>, %arg12: memref<32768xi32, #tpu.memory_space<vmem_shared>>, %arg13: memref<32768xf32, #tpu.memory_space<vmem>>, %arg14: memref<32768xf32, #tpu.memory_space<vmem>>) attributes {dimension_semantics = [#tpu.dimension_semantics<core_parallel>, #tpu.dimension_semantics<subcore_parallel>], iteration_bounds = array<i64: 2, 16>, scalar_prefetch = 0 : i64, scratch_operands = 9 : i64, tpu.core_type = #tpu.core_type<sc_vector_subcore>, window_params = [{transform_indices = #map}, {transform_indices = #map}, {transform_indices = #map}, {transform_indices = #map}]} {
    %mul3A = arith.constant 2 : i32
    %mul3A_0 = arith.muli %arg1, %mul3A : i32
    %add3A = arith.addi %mul3A_0, %arg0 : i32
    %iota3A = tpu.iota {dimensions = array<i32: 0>} : vector<16xi32>
    "tpu.region"() ({
      %run_scoped3A = tpu.sem_alloc : memref<!tpu.dma_semaphore, #tpu.memory_space<semaphore_mem>>
      tpu.enqueue_dma source(%arg2 : memref<4096xf32, #tpu.memory_space<hbm>>) target(%arg6 : memref<4096xf32, #tpu.memory_space<vmem>>) target_semaphore(%run_scoped3A : memref<!tpu.dma_semaphore, #tpu.memory_space<semaphore_mem>>)
      tpu.wait_dma2 semaphore(%run_scoped3A : memref<!tpu.dma_semaphore, #tpu.memory_space<semaphore_mem>>) src(%arg2 : memref<4096xf32, #tpu.memory_space<hbm>>) dst(%arg6 : memref<4096xf32, #tpu.memory_space<vmem>>)
      tpu.yield
    }) : () -> ()
    "tpu.region"() ({
      %run_scoped3A = tpu.sem_alloc : memref<!tpu.dma_semaphore, #tpu.memory_space<semaphore_mem>>
      tpu.enqueue_dma source(%arg3 : memref<4096xf32, #tpu.memory_space<hbm>>) target(%arg7 : memref<4096xf32, #tpu.memory_space<vmem>>) target_semaphore(%run_scoped3A : memref<!tpu.dma_semaphore, #tpu.memory_space<semaphore_mem>>)
      tpu.wait_dma2 semaphore(%run_scoped3A : memref<!tpu.dma_semaphore, #tpu.memory_space<semaphore_mem>>) src(%arg3 : memref<4096xf32, #tpu.memory_space<hbm>>) dst(%arg7 : memref<4096xf32, #tpu.memory_space<vmem>>)
      tpu.yield
    }) : () -> ()
    %scan3A = arith.constant 0 : i32
    %scan3A_1 = arith.constant 0 : i32
    %scan3A_2 = arith.constant 256 : i32
    %scan3A_3 = arith.addi %scan3A_1, %scan3A_2 : i32
    %scan3A_4 = arith.constant 1 : i32
    %scan3A_5 = scf.for %scan3A_30 = %scan3A_1 to %scan3A_3 step %scan3A_4 iter_args(%scan3A_31 = %scan3A) -> (i32)  : i32 {
      %mul3A_32 = arith.constant 16 : i32
      %mul3A_33 = arith.muli %scan3A_30, %mul3A_32 : i32
      %add3A_34 = vector.broadcast %mul3A_33 : i32 to vector<16xi32>
      %add3A_35 = arith.addi %add3A_34, %iota3A : vector<16xi32>
      %add3A_36 = arith.constant 1 : i32
      %add3A_37 = vector.broadcast %add3A_36 : i32 to vector<16xi32>
      %add3A_38 = arith.addi %add3A_35, %add3A_37 : vector<16xi32>
      %min3A = arith.constant 4095 : i32
      %min3A_39 = vector.broadcast %min3A : i32 to vector<16xi32>
      %min3A_40 = arith.minsi %add3A_38, %min3A_39 : vector<16xi32>
      %gather3A = tpu.vector_load_idx %arg6[%add3A_35] : memref<4096xf32, #tpu.memory_space<vmem>>[vector<16xi32>], vector<16xf32>,
      %gather3A_41 = tpu.vector_load_idx %arg6[%min3A_40] : memref<4096xf32, #tpu.memory_space<vmem>>[vector<16xi32>], vector<16xf32>,
      %gather3A_42 = tpu.vector_load_idx %arg7[%add3A_35] : memref<4096xf32, #tpu.memory_space<vmem>>[vector<16xi32>], vector<16xf32>,
      %gather3A_43 = tpu.vector_load_idx %arg7[%min3A_40] : memref<4096xf32, #tpu.memory_space<vmem>>[vector<16xi32>], vector<16xf32>,
      %sub3A = arith.subf %gather3A_43, %gather3A_42 : vector<16xf32>
      %sub3A_44 = arith.subf %gather3A_41, %gather3A : vector<16xf32>
      %div3A = arith.divf %sub3A, %sub3A_44 : vector<16xf32>
      %mul3A_45 = arith.constant 16 : i32
      %mul3A_46 = arith.muli %scan3A_30, %mul3A_45 : i32
      %swap3A = arith.index_cast %mul3A_46 : i32 to index
      %swap3A_47 = tpu.vector_load %arg8[%swap3A] {strides = array<i32>} : memref<4096xf32, #tpu.memory_space<vmem>>, vector<16xf32>,
      tpu.vector_store %arg8[%swap3A], %div3A {strides = array<i32>} : memref<4096xf32, #tpu.memory_space<vmem>>, vector<16xf32>,
      %scan3A_48 = arith.constant 0 : i32
      scf.yield %scan3A_48 : i32
    }
    %scan3A_6 = arith.constant 256 : i32
    %scan3A_7 = arith.constant 0 : i32
    %scan3A_8 = arith.constant 0 : i32
    %scan3A_9 = arith.constant 129 : i32
    %scan3A_10 = arith.addi %scan3A_8, %scan3A_9 : i32
    %scan3A_11 = arith.constant 1 : i32
    %scan3A_12 = scf.for %scan3A_30 = %scan3A_8 to %scan3A_10 step %scan3A_11 iter_args(%scan3A_31 = %scan3A_7) -> (i32)  : i32 {
      %mul3A_32 = arith.constant 2048 : i32
      %mul3A_33 = arith.muli %arg1, %mul3A_32 : i32
      %mul3A_34 = arith.constant 16 : i32
      %mul3A_35 = arith.muli %scan3A_30, %mul3A_34 : i32
      %add3A_36 = arith.addi %mul3A_33, %mul3A_35 : i32
      %add3A_37 = vector.broadcast %add3A_36 : i32 to vector<16xi32>
      %add3A_38 = arith.addi %add3A_37, %iota3A : vector<16xi32>
      %convert_element_type3A = arith.sitofp %add3A_38 : vector<16xi32> to vector<16xf32>
      %mul3A_39 = arith.constant 3.05175781E-5 : f32
      %mul3A_40 = vector.broadcast %mul3A_39 : f32 to vector<16xf32>
      %mul3A_41 = arith.mulf %convert_element_type3A, %mul3A_40 : vector<16xf32>
      %broadcast_in_dim3A = arith.constant 0 : i32
      %broadcast_in_dim3A_42 = vector.broadcast %broadcast_in_dim3A : i32 to vector<16xi32>
      %broadcast_in_dim3A_43 = arith.constant 4096 : i32
      %broadcast_in_dim3A_44 = vector.broadcast %broadcast_in_dim3A_43 : i32 to vector<16xi32>
      %add3A_45 = arith.addi %broadcast_in_dim3A_42, %broadcast_in_dim3A_44 : vector<16xi32>
      %shift_right_arithmetic3A = arith.constant 1 : i32
      %shift_right_arithmetic3A_46 = vector.broadcast %shift_right_arithmetic3A : i32 to vector<16xi32>
      %shift_right_arithmetic3A_47 = arith.shrsi %add3A_45, %shift_right_arithmetic3A_46 : vector<16xi32>
      %gather3A = tpu.vector_load_idx %arg6[%shift_right_arithmetic3A_47] : memref<4096xf32, #tpu.memory_space<vmem>>[vector<16xi32>], vector<16xf32>,
      %ge3A = arith.cmpf oge, %mul3A_41, %gather3A : vector<16xf32>
      %select_n3A = arith.select %ge3A, %shift_right_arithmetic3A_47, %broadcast_in_dim3A_42 : vector<16xi1>, vector<16xi32>
      %select_n3A_48 = arith.select %ge3A, %broadcast_in_dim3A_44, %shift_right_arithmetic3A_47 : vector<16xi1>, vector<16xi32>
      %add3A_49 = arith.addi %select_n3A, %select_n3A_48 : vector<16xi32>
      %shift_right_arithmetic3A_50 = arith.constant 1 : i32
      %shift_right_arithmetic3A_51 = vector.broadcast %shift_right_arithmetic3A_50 : i32 to vector<16xi32>
      %shift_right_arithmetic3A_52 = arith.shrsi %add3A_49, %shift_right_arithmetic3A_51 : vector<16xi32>
      %gather3A_53 = tpu.vector_load_idx %arg6[%shift_right_arithmetic3A_52] : memref<4096xf32, #tpu.memory_space<vmem>>[vector<16xi32>], vector<16xf32>,
      %ge3A_54 = arith.cmpf oge, %mul3A_41, %gather3A_53 : vector<16xf32>
      %select_n3A_55 = arith.select %ge3A_54, %shift_right_arithmetic3A_52, %select_n3A : vector<16xi1>, vector<16xi32>
      %select_n3A_56 = arith.select %ge3A_54, %select_n3A_48, %shift_right_arithmetic3A_52 : vector<16xi1>, vector<16xi32>
      %add3A_57 = arith.addi %select_n3A_55, %select_n3A_56 : vector<16xi32>
      %shift_right_arithmetic3A_58 = arith.constant 1 : i32
      %shift_right_arithmetic3A_59 = vector.broadcast %shift_right_arithmetic3A_58 : i32 to vector<16xi32>
      %shift_right_arithmetic3A_60 = arith.shrsi %add3A_57, %shift_right_arithmetic3A_59 : vector<16xi32>
      %gather3A_61 = tpu.vector_load_idx %arg6[%shift_right_arithmetic3A_60] : memref<4096xf32, #tpu.memory_space<vmem>>[vector<16xi32>], vector<16xf32>,
      %ge3A_62 = arith.cmpf oge, %mul3A_41, %gather3A_61 : vector<16xf32>
      %select_n3A_63 = arith.select %ge3A_62, %shift_right_arithmetic3A_60, %select_n3A_55 : vector<16xi1>, vector<16xi32>
      %select_n3A_64 = arith.select %ge3A_62, %select_n3A_56, %shift_right_arithmetic3A_60 : vector<16xi1>, vector<16xi32>
      %add3A_65 = arith.addi %select_n3A_63, %select_n3A_64 : vector<16xi32>
      %shift_right_arithmetic3A_66 = arith.constant 1 : i32
      %shift_right_arithmetic3A_67 = vector.broadcast %shift_right_arithmetic3A_66 : i32 to vector<16xi32>
      %shift_right_arithmetic3A_68 = arith.shrsi %add3A_65, %shift_right_arithmetic3A_67 : vector<16xi32>
      %gather3A_69 = tpu.vector_load_idx %arg6[%shift_right_arithmetic3A_68] : memref<4096xf32, #tpu.memory_space<vmem>>[vector<16xi32>], vector<16xf32>,
      %ge3A_70 = arith.cmpf oge, %mul3A_41, %gather3A_69 : vector<16xf32>
      %select_n3A_71 = arith.select %ge3A_70, %shift_right_arithmetic3A_68, %select_n3A_63 : vector<16xi1>, vector<16xi32>
      %select_n3A_72 = arith.select %ge3A_70, %select_n3A_64, %shift_right_arithmetic3A_68 : vector<16xi1>, vector<16xi32>
      %add3A_73 = arith.addi %select_n3A_71, %select_n3A_72 : vector<16xi32>
      %shift_right_arithmetic3A_74 = arith.constant 1 : i32
      %shift_right_arithmetic3A_75 = vector.broadcast %shift_right_arithmetic3A_74 : i32 to vector<16xi32>
      %shift_right_arithmetic3A_76 = arith.shrsi %add3A_73, %shift_right_arithmetic3A_75 : vector<16xi32>
      %gather3A_77 = tpu.vector_load_idx %arg6[%shift_right_arithmetic3A_76] : memref<4096xf32, #tpu.memory_space<vmem>>[vector<16xi32>], vector<16xf32>,
      %ge3A_78 = arith.cmpf oge, %mul3A_41, %gather3A_77 : vector<16xf32>
      %select_n3A_79 = arith.select %ge3A_78, %shift_right_arithmetic3A_76, %select_n3A_71 : vector<16xi1>, vector<16xi32>
      %select_n3A_80 = arith.select %ge3A_78, %select_n3A_72, %shift_right_arithmetic3A_76 : vector<16xi1>, vector<16xi32>
      %add3A_81 = arith.addi %select_n3A_79, %select_n3A_80 : vector<16xi32>
      %shift_right_arithmetic3A_82 = arith.constant 1 : i32
      %shift_right_arithmetic3A_83 = vector.broadcast %shift_right_arithmetic3A_82 : i32 to vector<16xi32>
      %shift_right_arithmetic3A_84 = arith.shrsi %add3A_81, %shift_right_arithmetic3A_83 : vector<16xi32>
      %gather3A_85 = tpu.vector_load_idx %arg6[%shift_right_arithmetic3A_84] : memref<4096xf32, #tpu.memory_space<vmem>>[vector<16xi32>], vector<16xf32>,
      %ge3A_86 = arith.cmpf oge, %mul3A_41, %gather3A_85 : vector<16xf32>
      %select_n3A_87 = arith.select %ge3A_86, %shift_right_arithmetic3A_84, %select_n3A_79 : vector<16xi1>, vector<16xi32>
      %select_n3A_88 = arith.select %ge3A_86, %select_n3A_80, %shift_right_arithmetic3A_84 : vector<16xi1>, vector<16xi32>
      %add3A_89 = arith.addi %select_n3A_87, %select_n3A_88 : vector<16xi32>
      %shift_right_arithmetic3A_90 = arith.constant 1 : i32
      %shift_right_arithmetic3A_91 = vector.broadcast %shift_right_arithmetic3A_90 : i32 to vector<16xi32>
      %shift_right_arithmetic3A_92 = arith.shrsi %add3A_89, %shift_right_arithmetic3A_91 : vector<16xi32>
      %gather3A_93 = tpu.vector_load_idx %arg6[%shift_right_arithmetic3A_92] : memref<4096xf32, #tpu.memory_space<vmem>>[vector<16xi32>], vector<16xf32>,
      %ge3A_94 = arith.cmpf oge, %mul3A_41, %gather3A_93 : vector<16xf32>
      %select_n3A_95 = arith.select %ge3A_94, %shift_right_arithmetic3A_92, %select_n3A_87 : vector<16xi1>, vector<16xi32>
      %select_n3A_96 = arith.select %ge3A_94, %select_n3A_88, %shift_right_arithmetic3A_92 : vector<16xi1>, vector<16xi32>
      %add3A_97 = arith.addi %select_n3A_95, %select_n3A_96 : vector<16xi32>
      %shift_right_arithmetic3A_98 = arith.constant 1 : i32
      %shift_right_arithmetic3A_99 = vector.broadcast %shift_right_arithmetic3A_98 : i32 to vector<16xi32>
      %shift_right_arithmetic3A_100 = arith.shrsi %add3A_97, %shift_right_arithmetic3A_99 : vector<16xi32>
      %gather3A_101 = tpu.vector_load_idx %arg6[%shift_right_arithmetic3A_100] : memref<4096xf32, #tpu.memory_space<vmem>>[vector<16xi32>], vector<16xf32>,
      %ge3A_102 = arith.cmpf oge, %mul3A_41, %gather3A_101 : vector<16xf32>
      %select_n3A_103 = arith.select %ge3A_102, %shift_right_arithmetic3A_100, %select_n3A_95 : vector<16xi1>, vector<16xi32>
      %select_n3A_104 = arith.select %ge3A_102, %select_n3A_96, %shift_right_arithmetic3A_100 : vector<16xi1>, vector<16xi32>
      %add3A_105 = arith.addi %select_n3A_103, %select_n3A_104 : vector<16xi32>
      %shift_right_arithmetic3A_106 = arith.constant 1 : i32
      %shift_right_arithmetic3A_107 = vector.broadcast %shift_right_arithmetic3A_106 : i32 to vector<16xi32>
      %shift_right_arithmetic3A_108 = arith.shrsi %add3A_105, %shift_right_arithmetic3A_107 : vector<16xi32>
      %gather3A_109 = tpu.vector_load_idx %arg6[%shift_right_arithmetic3A_108] : memref<4096xf32, #tpu.memory_space<vmem>>[vector<16xi32>], vector<16xf32>,
      %ge3A_110 = arith.cmpf oge, %mul3A_41, %gather3A_109 : vector<16xf32>
      %select_n3A_111 = arith.select %ge3A_110, %shift_right_arithmetic3A_108, %select_n3A_103 : vector<16xi1>, vector<16xi32>
      %select_n3A_112 = arith.select %ge3A_110, %select_n3A_104, %shift_right_arithmetic3A_108 : vector<16xi1>, vector<16xi32>
      %add3A_113 = arith.addi %select_n3A_111, %select_n3A_112 : vector<16xi32>
      %shift_right_arithmetic3A_114 = arith.constant 1 : i32
      %shift_right_arithmetic3A_115 = vector.broadcast %shift_right_arithmetic3A_114 : i32 to vector<16xi32>
      %shift_right_arithmetic3A_116 = arith.shrsi %add3A_113, %shift_right_arithmetic3A_115 : vector<16xi32>
      %gather3A_117 = tpu.vector_load_idx %arg6[%shift_right_arithmetic3A_116] : memref<4096xf32, #tpu.memory_space<vmem>>[vector<16xi32>], vector<16xf32>,
      %ge3A_118 = arith.cmpf oge, %mul3A_41, %gather3A_117 : vector<16xf32>
      %select_n3A_119 = arith.select %ge3A_118, %shift_right_arithmetic3A_116, %select_n3A_111 : vector<16xi1>, vector<16xi32>
      %select_n3A_120 = arith.select %ge3A_118, %select_n3A_112, %shift_right_arithmetic3A_116 : vector<16xi1>, vector<16xi32>
      %add3A_121 = arith.addi %select_n3A_119, %select_n3A_120 : vector<16xi32>
      %shift_right_arithmetic3A_122 = arith.constant 1 : i32
      %shift_right_arithmetic3A_123 = vector.broadcast %shift_right_arithmetic3A_122 : i32 to vector<16xi32>
      %shift_right_arithmetic3A_124 = arith.shrsi %add3A_121, %shift_right_arithmetic3A_123 : vector<16xi32>
      %gather3A_125 = tpu.vector_load_idx %arg6[%shift_right_arithmetic3A_124] : memref<4096xf32, #tpu.memory_space<vmem>>[vector<16xi32>], vector<16xf32>,
      %ge3A_126 = arith.cmpf oge, %mul3A_41, %gather3A_125 : vector<16xf32>
      %select_n3A_127 = arith.select %ge3A_126, %shift_right_arithmetic3A_124, %select_n3A_119 : vector<16xi1>, vector<16xi32>
      %select_n3A_128 = arith.select %ge3A_126, %select_n3A_120, %shift_right_arithmetic3A_124 : vector<16xi1>, vector<16xi32>
      %add3A_129 = arith.addi %select_n3A_127, %select_n3A_128 : vector<16xi32>
      %shift_right_arithmetic3A_130 = arith.constant 1 : i32
      %shift_right_arithmetic3A_131 = vector.broadcast %shift_right_arithmetic3A_130 : i32 to vector<16xi32>
      %shift_right_arithmetic3A_132 = arith.shrsi %add3A_129, %shift_right_arithmetic3A_131 : vector<16xi32>
      %gather3A_133 = tpu.vector_load_idx %arg6[%shift_right_arithmetic3A_132] : memref<4096xf32, #tpu.memory_space<vmem>>[vector<16xi32>], vector<16xf32>,
      %ge3A_134 = arith.cmpf oge, %mul3A_41, %gather3A_133 : vector<16xf32>
      %select_n3A_135 = arith.select %ge3A_134, %shift_right_arithmetic3A_132, %select_n3A_127 : vector<16xi1>, vector<16xi32>
      %select_n3A_136 = arith.select %ge3A_134, %select_n3A_128, %shift_right_arithmetic3A_132 : vector<16xi1>, vector<16xi32>
      %mul3A_137 = arith.constant 16 : i32
      %mul3A_138 = arith.muli %scan3A_30, %mul3A_137 : i32
      %swap3A = arith.index_cast %mul3A_138 : i32 to index
      %swap3A_139 = tpu.vector_load %arg10[%swap3A] {strides = array<i32>} : memref<2064xi32, #tpu.memory_space<vmem>>, vector<16xi32>,
      tpu.vector_store %arg10[%swap3A], %select_n3A_135 {strides = array<i32>} : memref<2064xi32, #tpu.memory_space<vmem>>, vector<16xi32>,
      %scan3A_140 = arith.constant 0 : i32
      scf.yield %scan3A_140 : i32
    }
    %scan3A_13 = arith.constant 129 : i32
    %scan3A_14 = arith.constant 0 : i32
    %scan3A_15 = arith.constant 0 : i32
    %scan3A_16 = arith.constant 128 : i32
    %scan3A_17 = arith.addi %scan3A_15, %scan3A_16 : i32
    %scan3A_18 = arith.constant 1 : i32
    %scan3A_19 = scf.for %scan3A_30 = %scan3A_15 to %scan3A_17 step %scan3A_18 iter_args(%scan3A_31 = %scan3A_14) -> (i32)  : i32 {
      %mul3A_32 = arith.constant 16 : i32
      %mul3A_33 = arith.muli %scan3A_30, %mul3A_32 : i32
      %add3A_34 = vector.broadcast %mul3A_33 : i32 to vector<16xi32>
      %add3A_35 = arith.addi %add3A_34, %iota3A : vector<16xi32>
      %mul3A_36 = arith.constant 16 : i32
      %mul3A_37 = arith.muli %scan3A_30, %mul3A_36 : i32
      %get3A = arith.index_cast %mul3A_37 : i32 to index
      %get3A_38 = tpu.vector_load %arg10[%get3A] {strides = array<i32>} : memref<2064xi32, #tpu.memory_space<vmem>>, vector<16xi32>,
      %add3A_39 = arith.constant 1 : i32
      %add3A_40 = vector.broadcast %add3A_39 : i32 to vector<16xi32>
      %add3A_41 = arith.addi %add3A_35, %add3A_40 : vector<16xi32>
      %gather3A = tpu.vector_load_idx %arg10[%add3A_41] : memref<2064xi32, #tpu.memory_space<vmem>>[vector<16xi32>], vector<16xi32>,
      %add3A_42 = arith.constant 1 : i32
      %add3A_43 = vector.broadcast %add3A_42 : i32 to vector<16xi32>
      %add3A_44 = arith.addi %gather3A, %add3A_43 : vector<16xi32>
      %sub3A = arith.subi %add3A_44, %get3A_38 : vector<16xi32>
      %shift_left3A = arith.constant 16 : i32
      %shift_left3A_45 = vector.broadcast %shift_left3A : i32 to vector<16xi32>
      %shift_left3A_46 = arith.shli %sub3A, %shift_left3A_45 : vector<16xi32>
      %or3A = arith.ori %get3A_38, %shift_left3A_46 : vector<16xi32>
      %mul3A_47 = arith.constant 16 : i32
      %mul3A_48 = arith.muli %scan3A_30, %mul3A_47 : i32
      %swap3A = arith.index_cast %mul3A_48 : i32 to index
      %swap3A_49 = tpu.vector_load %arg11[%swap3A] {strides = array<i32>} : memref<2048xi32, #tpu.memory_space<vmem>>, vector<16xi32>,
      tpu.vector_store %arg11[%swap3A], %or3A {strides = array<i32>} : memref<2048xi32, #tpu.memory_space<vmem>>, vector<16xi32>,
      %scan3A_50 = arith.constant 0 : i32
      scf.yield %scan3A_50 : i32
    }
    %scan3A_20 = arith.constant 128 : i32
    %mul3A_21 = arith.constant 2048 : i32
    %mul3A_22 = arith.muli %arg1, %mul3A_21 : i32
    "tpu.region"() ({
      %run_scoped3A = tpu.sem_alloc : memref<!tpu.dma_semaphore, #tpu.memory_space<semaphore_mem>>
      %dma_start3A = tpu.memref_slice %arg12[%mul3A_22] : memref<32768xi32, #tpu.memory_space<vmem_shared>> -> memref<2048xi32, #tpu.memory_space<vmem_shared>>
      %dma_start3A_30 = tpu.memref_slice %arg12[%mul3A_22] : memref<32768xi32, #tpu.memory_space<vmem_shared>> -> memref<2048xi32, #tpu.memory_space<vmem_shared>>
      tpu.enqueue_dma source(%arg11 : memref<2048xi32, #tpu.memory_space<vmem>>) target(%dma_start3A_30 : memref<2048xi32, #tpu.memory_space<vmem_shared>>) target_semaphore(%run_scoped3A : memref<!tpu.dma_semaphore, #tpu.memory_space<semaphore_mem>>)
      %dma_wait3A = tpu.memref_slice %arg12[%mul3A_22] : memref<32768xi32, #tpu.memory_space<vmem_shared>> -> memref<2048xi32, #tpu.memory_space<vmem_shared>>
      %dma_wait3A_31 = tpu.memref_slice %arg12[%mul3A_22] : memref<32768xi32, #tpu.memory_space<vmem_shared>> -> memref<2048xi32, #tpu.memory_space<vmem_shared>>
      tpu.wait_dma2 semaphore(%run_scoped3A : memref<!tpu.dma_semaphore, #tpu.memory_space<semaphore_mem>>) src(%arg11 : memref<2048xi32, #tpu.memory_space<vmem>>) dst(%dma_wait3A_31 : memref<2048xi32, #tpu.memory_space<vmem_shared>>)
      tpu.yield
    }) : () -> ()
    %barrier3A = arith.constant 0 : index
    tpu.barrier barrier_id(%barrier3A)
    "tpu.region"() ({
      %run_scoped3A = tpu.sem_alloc : memref<!tpu.dma_semaphore, #tpu.memory_space<semaphore_mem>>
      tpu.enqueue_dma source(%arg12 : memref<32768xi32, #tpu.memory_space<vmem_shared>>) target(%arg9 : memref<32768xi32, #tpu.memory_space<vmem>>) target_semaphore(%run_scoped3A : memref<!tpu.dma_semaphore, #tpu.memory_space<semaphore_mem>>)
      tpu.wait_dma2 semaphore(%run_scoped3A : memref<!tpu.dma_semaphore, #tpu.memory_space<semaphore_mem>>) src(%arg12 : memref<32768xi32, #tpu.memory_space<vmem_shared>>) dst(%arg9 : memref<32768xi32, #tpu.memory_space<vmem>>)
      tpu.yield
    }) : () -> ()
    %scan3A_23 = arith.constant 0 : i32
    %scan3A_24 = arith.constant 0 : i32
    %scan3A_25 = arith.constant 8 : i32
    %scan3A_26 = arith.addi %scan3A_24, %scan3A_25 : i32
    %scan3A_27 = arith.constant 1 : i32
    %scan3A_28 = scf.for %scan3A_30 = %scan3A_24 to %scan3A_26 step %scan3A_27 iter_args(%scan3A_31 = %scan3A_23) -> (i32)  : i32 {
      %mul3A_32 = arith.constant 262144 : i32
      %mul3A_33 = arith.muli %add3A, %mul3A_32 : i32
      %mul3A_34 = arith.constant 32768 : i32
      %mul3A_35 = arith.muli %scan3A_30, %mul3A_34 : i32
      %add3A_36 = arith.addi %mul3A_33, %mul3A_35 : i32
      "tpu.region"() ({
        %run_scoped3A = tpu.sem_alloc : memref<!tpu.dma_semaphore, #tpu.memory_space<semaphore_mem>>
        %dma_start3A = tpu.memref_slice %arg4[%add3A_36] : memref<8388608xf32, #tpu.memory_space<hbm>> -> memref<32768xf32, #tpu.memory_space<hbm>>
        %dma_start3A_45 = tpu.memref_slice %arg4[%add3A_36] : memref<8388608xf32, #tpu.memory_space<hbm>> -> memref<32768xf32, #tpu.memory_space<hbm>>
        tpu.enqueue_dma source(%dma_start3A_45 : memref<32768xf32, #tpu.memory_space<hbm>>) target(%arg13 : memref<32768xf32, #tpu.memory_space<vmem>>) target_semaphore(%run_scoped3A : memref<!tpu.dma_semaphore, #tpu.memory_space<semaphore_mem>>)
        %dma_wait3A = tpu.memref_slice %arg4[%add3A_36] : memref<8388608xf32, #tpu.memory_space<hbm>> -> memref<32768xf32, #tpu.memory_space<hbm>>
        %dma_wait3A_46 = tpu.memref_slice %arg4[%add3A_36] : memref<8388608xf32, #tpu.memory_space<hbm>> -> memref<32768xf32, #tpu.memory_space<hbm>>
        tpu.wait_dma2 semaphore(%run_scoped3A : memref<!tpu.dma_semaphore, #tpu.memory_space<semaphore_mem>>) src(%dma_wait3A_46 : memref<32768xf32, #tpu.memory_space<hbm>>) dst(%arg13 : memref<32768xf32, #tpu.memory_space<vmem>>)
        tpu.yield
      }) : () -> ()
      %scan3A_37 = arith.constant 0 : i32
      %scan3A_38 = arith.constant 0 : i32
      %scan3A_39 = arith.constant 2048 : i32
      %scan3A_40 = arith.addi %scan3A_38, %scan3A_39 : i32
      %scan3A_41 = arith.constant 1 : i32
      %scan3A_42 = scf.for %scan3A_45 = %scan3A_38 to %scan3A_40 step %scan3A_41 iter_args(%scan3A_46 = %scan3A_37) -> (i32)  : i32 {
        %mul3A_47 = arith.constant 16 : i32
        %mul3A_48 = arith.muli %scan3A_45, %mul3A_47 : i32
        %get3A = arith.index_cast %mul3A_48 : i32 to index
        %get3A_49 = tpu.vector_load %arg13[%get3A] {strides = array<i32>} : memref<32768xf32, #tpu.memory_space<vmem>>, vector<16xf32>,
        %mul3A_50 = arith.constant 3.276800e+04 : f32
        %mul3A_51 = vector.broadcast %mul3A_50 : f32 to vector<16xf32>
        %mul3A_52 = arith.mulf %get3A_49, %mul3A_51 : vector<16xf32>
        %convert_element_type3A = arith.fptosi %mul3A_52 : vector<16xf32> to vector<16xi32>
        %gather3A = tpu.vector_load_idx %arg9[%convert_element_type3A] : memref<32768xi32, #tpu.memory_space<vmem>>[vector<16xi32>], vector<16xi32>,
        %and3A = arith.constant 65535 : i32
        %and3A_53 = vector.broadcast %and3A : i32 to vector<16xi32>
        %and3A_54 = arith.andi %gather3A, %and3A_53 : vector<16xi32>
        %shift_right_arithmetic3A = arith.constant 16 : i32
        %shift_right_arithmetic3A_55 = vector.broadcast %shift_right_arithmetic3A : i32 to vector<16xi32>
        %shift_right_arithmetic3A_56 = arith.shrsi %gather3A, %shift_right_arithmetic3A_55 : vector<16xi32>
        %add3A_57 = arith.addi %and3A_54, %shift_right_arithmetic3A_56 : vector<16xi32>
        %while3A:2 = scf.while (%while3A_67 = %and3A_54, %while3A_68 = %add3A_57) : (vector<16xi32>, vector<16xi32>) -> (vector<16xi32>, vector<16xi32>) {
          %sub3A_69 = arith.subi %while3A_68, %while3A_67 : vector<16xi32>
          %gt3A = arith.constant 1 : i32
          %gt3A_70 = vector.broadcast %gt3A : i32 to vector<16xi32>
          %gt3A_71 = arith.cmpi sgt, %sub3A_69, %gt3A_70 : vector<16xi32>
          %reduce_or3A = arith.constant 1.000000e+00 : f32
          %reduce_or3A_72 = arith.constant 0.000000e+00 : f32
          %reduce_or3A_73 = vector.broadcast %reduce_or3A : f32 to vector<16xf32>
          %reduce_or3A_74 = vector.broadcast %reduce_or3A_72 : f32 to vector<16xf32>
          %reduce_or3A_75 = arith.select %gt3A_71, %reduce_or3A_73, %reduce_or3A_74 : vector<16xi1>, vector<16xf32>
          %reduce_or3A_76 = arith.constant true
          %reduce_or3A_77 = vector.broadcast %reduce_or3A_76 : i1 to vector<16xi1>
          %reduce_or3A_78 = tpu.scan <max>, %reduce_or3A_75 masked %reduce_or3A_77 : vector<16xf32>, vector<16xi1> -> vector<16xf32>
          %reduce_or3A_79 = vector.extract %reduce_or3A_78[15] : f32 from vector<16xf32>
          %reduce_or3A_80 = arith.constant 0.000000e+00 : f32
          %reduce_or3A_81 = arith.cmpf ogt, %reduce_or3A_79, %reduce_or3A_80 : f32
          scf.condition(%reduce_or3A_81) %while3A_67, %while3A_68 : vector<16xi32>, vector<16xi32>
        } do {
        ^bb0(%while3A_67: vector<16xi32>, %while3A_68: vector<16xi32>):
          %add3A_69 = arith.addi %while3A_67, %while3A_68 : vector<16xi32>
          %shift_right_arithmetic3A_70 = arith.constant 1 : i32
          %shift_right_arithmetic3A_71 = vector.broadcast %shift_right_arithmetic3A_70 : i32 to vector<16xi32>
          %shift_right_arithmetic3A_72 = arith.shrsi %add3A_69, %shift_right_arithmetic3A_71 : vector<16xi32>
          %gather3A_73 = tpu.vector_load_idx %arg6[%shift_right_arithmetic3A_72] : memref<4096xf32, #tpu.memory_space<vmem>>[vector<16xi32>], vector<16xf32>,
          %ge3A = arith.cmpf oge, %get3A_49, %gather3A_73 : vector<16xf32>
          %select_n3A = arith.select %ge3A, %shift_right_arithmetic3A_72, %while3A_67 : vector<16xi1>, vector<16xi32>
          %select_n3A_74 = arith.select %ge3A, %while3A_68, %shift_right_arithmetic3A_72 : vector<16xi1>, vector<16xi32>
          scf.yield %select_n3A, %select_n3A_74 : vector<16xi32>, vector<16xi32>
        }
        %gather3A_58 = tpu.vector_load_idx %arg6[%while3A#0] : memref<4096xf32, #tpu.memory_space<vmem>>[vector<16xi32>], vector<16xf32>,
        %gather3A_59 = tpu.vector_load_idx %arg7[%while3A#0] : memref<4096xf32, #tpu.memory_space<vmem>>[vector<16xi32>], vector<16xf32>,
        %gather3A_60 = tpu.vector_load_idx %arg8[%while3A#0] : memref<4096xf32, #tpu.memory_space<vmem>>[vector<16xi32>], vector<16xf32>,
        %sub3A = arith.subf %get3A_49, %gather3A_58 : vector<16xf32>
        %mul3A_61 = arith.mulf %gather3A_60, %sub3A : vector<16xf32>
        %add3A_62 = arith.addf %gather3A_59, %mul3A_61 : vector<16xf32>
        %mul3A_63 = arith.constant 16 : i32
        %mul3A_64 = arith.muli %scan3A_45, %mul3A_63 : i32
        %swap3A = arith.index_cast %mul3A_64 : i32 to index
        %swap3A_65 = tpu.vector_load %arg14[%swap3A] {strides = array<i32>} : memref<32768xf32, #tpu.memory_space<vmem>>, vector<16xf32>,
        tpu.vector_store %arg14[%swap3A], %add3A_62 {strides = array<i32>} : memref<32768xf32, #tpu.memory_space<vmem>>, vector<16xf32>,
        %scan3A_66 = arith.constant 0 : i32
        scf.yield %scan3A_66 : i32
      }
      %scan3A_43 = arith.constant 2048 : i32
      "tpu.region"() ({
        %run_scoped3A = tpu.sem_alloc : memref<!tpu.dma_semaphore, #tpu.memory_space<semaphore_mem>>
        %dma_start3A = tpu.memref_slice %arg5[%add3A_36] : memref<8388608xf32, #tpu.memory_space<hbm>> -> memref<32768xf32, #tpu.memory_space<hbm>>
        %dma_start3A_45 = tpu.memref_slice %arg5[%add3A_36] : memref<8388608xf32, #tpu.memory_space<hbm>> -> memref<32768xf32, #tpu.memory_space<hbm>>
        tpu.enqueue_dma source(%arg14 : memref<32768xf32, #tpu.memory_space<vmem>>) target(%dma_start3A_45 : memref<32768xf32, #tpu.memory_space<hbm>>) target_semaphore(%run_scoped3A : memref<!tpu.dma_semaphore, #tpu.memory_space<semaphore_mem>>)
        %dma_wait3A = tpu.memref_slice %arg5[%add3A_36] : memref<8388608xf32, #tpu.memory_space<hbm>> -> memref<32768xf32, #tpu.memory_space<hbm>>
        %dma_wait3A_46 = tpu.memref_slice %arg5[%add3A_36] : memref<8388608xf32, #tpu.memory_space<hbm>> -> memref<32768xf32, #tpu.memory_space<hbm>>
        tpu.wait_dma2 semaphore(%run_scoped3A : memref<!tpu.dma_semaphore, #tpu.memory_space<semaphore_mem>>) src(%arg14 : memref<32768xf32, #tpu.memory_space<vmem>>) dst(%dma_wait3A_46 : memref<32768xf32, #tpu.memory_space<hbm>>)
        tpu.yield
      }) : () -> ()
      %scan3A_44 = arith.constant 0 : i32
      scf.yield %scan3A_44 : i32
    }
    %scan3A_29 = arith.constant 8 : i32
    return
  }
}

</mosaic_0001>

<sc_bundles>
// kernel: kernel.3.cloned.1.call-start
scs
__scs_entry_jumppad:
0x0: {  	(pc) =	sbr.rel $0x88, $3  }
0x1: {  	(tag) =	ssettag $0x0;
	lr =	simm.s32 $0x1  }
0x2: {  	[smem:$0x3F9E] =	sst lr;
	_ =	strace $0xD0000000  }
0x3: {  	_ = 	snop  }
0x4: {  	_ = 	snop  }
0x5: {  	_ = 	snop  }
0x6: {  	_ = 	snop  }
0x7: {  	_ = 	snop  }
__scs_overlays_trampoline_lowered:
0x8: {  	[smem:$0x3FAD] =	sst s0  }
0x9: {  	[smem:$0x3FAE] =	sst s1  }
0xa: {  	[smem:$0x3FAF] =	sst s2  }
0xb: {  	[smem:$0x3FB0] =	sst s3  }
0xc: {  	[smem:$0x3FB1] =	sst s4  }
0xd: {  	[smem:$0x3FB2] =	sst s5  }
0xe: {  	[smem:$0x3FB3] =	sst s6  }
0xf: {  	[smem:$0x3FB4] =	sst s7  }
0x10: {  	[smem:$0x3FB5] =	sst s8  }
0x11: {  	[smem:$0x3FB6] =	sst s9;
	s0 =	simm.s32 @!p0 $0x0  }
0x12: {  	s1 =	sld [smem:$0x3F9C];
	s0 =	simm.s32 @p0 $0x1  }
0x13: {  	[smem:$0x3FB7] =	sst s0;
	s0 =	simm.s32 @!p1 $0x0  }
0x14: {  	s2 =	sld [smem:$0x3F9B];
	s0 =	simm.s32 @p1 $0x1  }
0x15: {  	[smem:$0x3FB8] =	sst s0;
	s0 =	simm.s32 @!p2 $0x0  }
0x16: {  	s3 =	sld [smem:$0x3FDB];
	s0 =	simm.s32 @p2 $0x1  }
0x17: {  	s4 =	simm.s32 $0x1BF5;
	[smem:$0x3FBA] =	sst s0  }
0x18: {  	s0 =	sld [smem:$0x3F9D];
	_ =	swait.ge [sflag:s4], $0x0  }
0x19: {  	s7 =	sld [smem:$0x3F9E]  }
0x1a: {  	s8 =	sadd.s32 $0xFFFFE003, lr  }
0x1b: {  	s9 =	sadd.s32 $0xFFFFFEF7, lr;
	s5 =	simm.s32 $0xFFFFFFFF;
	p2 =	slt.u32 s8, $0xFFFFF086  }
0x1c: {  	p1 =	slt.u32 s9, $0xF7A;
	s5 =	simm.s32 @!p2 $0x0  }
0x1d: {  	s5 =	simm.s32 @p1 $0x1;
	p0 =	seq.s32 s7, s2  }
0x1e: {  	s7 =	smul.u32 @!p0 $0xF7A, s2;
	p2 =	seq.s32 @!p0 s5, $0x0  }
0x1f: {  	s9 =	smul.u32 $0xF7A, s1;
	s8 =	simm.s32 @!p0 $0x1BF5;
	p2 =	por !p2, p0  }
0x20: {  	[sflag:s8] =	ssyncset.s32 @!p0 $0xFFFFF086;
	s6 =	sadd.s32 @!p0 s3, s7;
	s7 =	simm.s32 @!p0 $0x108  }
0x21: {  	s3 =	sadd.s32 s3, s9;
	s6 =	sadd.s32 @!p0 $0x88, s6;
	s7 =	simm.s32 @p2 $0x1082  }
0x22: {  	[simem:s7], [sflag:s8] =	dma.local @!p0 [hbm:s6], $0xF7A  }
0x23: {  	s9 =	sor.u32 $0xD0000000, s2;
	s6 =	simm.s32 $0x108;
	_ =	swait.ge @!p0 [sflag:s8], $0x0  }
0x24: {  	s3 =	sadd.s32 $0x88, s3;
	s6 =	simm.s32 @!p1 $0x1082;
	[sflag:s4] =	ssyncset.s32 $0xFFFFF086  }
0x25: {  	[simem:s6], [sflag:s4] =	dma.local [hbm:s3], $0xF7A  }
0x26: {  	[smem:$0x3F9E] =	sst s1;
	(tag) =	ssettag s2;
	_ =	strace s9  }
0x27: {  	s1 =	sld [smem:$0x3FAE]  }
0x28: {  	s2 =	sld [smem:$0x3FAF]  }
0x29: {  	s4 =	sld [smem:$0x3FB1]  }
0x2a: {  	p0 =	seq.s32 s5, $0x0;
	s5 =	sld [smem:$0x3FB2]  }
0x2b: {  	s6 =	sld [smem:$0x3FB3]  }
0x2c: {  	s7 =	sld [smem:$0x3FB4]  }
0x2d: {  	s3 =	simm.s32 $0x108;
	s8 =	sld [smem:$0x3FB5]  }
0x2e: {  	s3 =	simm.s32 @!p0 $0x1082;
	s9 =	sld [smem:$0x3FB6]  }
0x2f: {  	lr =	sadd.s32 s0, s3;
	s0 =	sld [smem:$0x3FAD]  }
0x30: {  	s3 =	sld [smem:$0x3FB0]  }
0x31: {  	[smem:$0x3FB9] =	sst s10  }
0x32: {  	s10 =	sld [smem:$0x3FB7];
	_ =	sdelay $0x3  }
0x33: {  	p0 =	seq.s32 s10, $0x1;
	s10 =	sld [smem:$0x3FB9];
	_ =	sdelay $0x3  }
0x34: {  	[smem:$0x3FB9] =	sst s10  }
0x35: {  	s10 =	sld [smem:$0x3FB8];
	_ =	sdelay $0x3  }
0x36: {  	p1 =	seq.s32 s10, $0x1;
	s10 =	sld [smem:$0x3FB9];
	_ =	sdelay $0x3  }
0x37: {  	[smem:$0x3FB9] =	sst s10  }
0x38: {  	s10 =	sld [smem:$0x3FBA]  }
0x39: {  	_ = 	snop;
	(pc) =	sbr.ind lr, $3  }
0x3a: {  	_ = 	snop  }
0x3b: {  	_ = 	snop  }
0x3c: {  	p2 =	seq.s32 s10, $0x1;
	s10 =	sld [smem:$0x3FB9]  }
0x3d: {  	_ =	shalt  }
0x3e: {  	_ =	shalt  }
0x3f: {  	_ =	shalt  }
0x40: {  	_ =	shalt  }
0x41: {  	_ =	shalt  }
0x42: {  	_ =	shalt  }
0x43: {  	_ =	shalt  }
0x44: {  	_ =	shalt  }
0x45: {  	_ =	shalt  }
0x46: {  	_ =	shalt  }
0x47: {  	_ =	shalt  }
0x48: {  	_ =	shalt  }
0x49: {  	_ =	shalt  }
0x4a: {  	_ =	shalt  }
0x4b: {  	_ =	shalt  }
0x4c: {  	_ =	shalt  }
0x4d: {  	_ =	shalt  }
0x4e: {  	_ =	shalt  }
0x4f: {  	_ =	shalt  }
0x50: {  	_ =	shalt  }
0x51: {  	_ =	shalt  }
0x52: {  	_ =	shalt  }
0x53: {  	_ =	shalt  }
0x54: {  	_ =	shalt  }
0x55: {  	_ =	shalt  }
0x56: {  	_ =	shalt  }
0x57: {  	_ =	shalt  }
0x58: {  	_ =	shalt  }
0x59: {  	_ =	shalt  }
0x5a: {  	_ =	shalt  }
0x5b: {  	_ =	shalt  }
0x5c: {  	_ =	shalt  }
0x5d: {  	_ =	shalt  }
0x5e: {  	_ =	shalt  }
0x5f: {  	_ =	shalt  }
0x60: {  	_ =	shalt  }
0x61: {  	_ =	shalt  }
0x62: {  	_ =	shalt  }
0x63: {  	_ =	shalt  }
0x64: {  	_ =	shalt  }
0x65: {  	_ =	shalt  }
0x66: {  	_ =	shalt  }
0x67: {  	_ =	shalt  }
0x68: {  	_ =	shalt  }
0x69: {  	_ =	shalt  }
0x6a: {  	_ =	shalt  }
0x6b: {  	_ =	shalt  }
0x6c: {  	_ =	shalt  }
0x6d: {  	_ =	shalt  }
0x6e: {  	_ =	shalt  }
0x6f: {  	_ =	shalt  }
0x70: {  	_ =	shalt  }
0x71: {  	_ =	shalt  }
0x72: {  	_ =	shalt  }
0x73: {  	_ =	shalt  }
0x74: {  	_ =	shalt  }
0x75: {  	_ =	shalt  }
0x76: {  	_ =	shalt  }
0x77: {  	_ =	shalt  }
0x78: {  	_ =	shalt  }
0x79: {  	_ =	shalt  }
0x7a: {  	_ =	shalt  }
0x7b: {  	_ =	shalt  }
0x7c: {  	_ =	shalt  }
0x7d: {  	_ =	shalt  }
0x7e: {  	_ =	shalt  }
0x7f: {  	_ =	shalt  }
0x80: {  	_ =	shalt  }
0x81: {  	_ =	shalt  }
0x82: {  	_ =	shalt  }
0x83: {  	_ =	shalt  }
0x84: {  	_ =	shalt  }
0x85: {  	_ =	shalt  }
0x86: {  	_ =	shalt  }
0x87: {  	_ =	shalt  }
.Lfunc_end0:
.L_simem_size_0:
called_computation_lowered:
.L_overlay_start_0:
0x88: {  	s2 =	sld [smem:$0x3FD9]  }
0x89: {  	s3 =	sld [smem:$0x3FFE];
	_ =	sdelay $0x1  }
0x8a: {  	s1 =	srdreg.scid  }
0x8b: {  	s0 =	sand.u32 $0x1, s1  }
0x8c: {  	s18 =	sshll.u32 s0, $0xA;
	s2 =	sadd.s32 s3, s2  }
0x8d: {  	s2 =	sadd.s32 s2, s18  }
0x8e: {  	[smem:$0x3FC5] =	sst s2  }
0x8f: {  	_ = 	snop  }
0x90: {  	s2 =	sld [smem:$0x3FC9]  }
0x91: {  	s19 =	sld [smem:$0x3FC8]  }
0x92: {  	s4 =	sld [smem:$0x3FC7]  }
0x93: {  	s5 =	sld [smem:$0x3FD0];
	(tm) =	ssettm $0x1  }
0x94: {  	s6 =	sld [smem:$0x3FFB];
	_ =	sdelay $0x3  }
0x95: {  	_ =	strace s6  }
0x96: {  	s6 =	sld [smem:$0x3FFC];
	_ =	sdelay $0x3  }
0x97: {  	_ =	strace s6  }
0x98: {  	s6 =	sld [smem:$0x3FFD];
	_ =	sdelay $0x3  }
0x99: {  	_ =	strace s6  }
0x9a: {  	_ =	strace $0x8FFFFFFF  }
0x9b: {  	s20 =	sld [smem:$0x3FDB];
	_ =	sdelay $0x1  }
0x9c: {  	s7 =	simm.s32 $_scs_section_size  }
0x9d: {  	s8 =	simm.s32 $_size__tile_overlayer_lowered;
	s9 =	simm.s32 $_tile_overlayer_lowered  }
0x9e: {  	s23 =	simm.s32 $0x1BFF;
	s22 =	sshll.u32 s9, $0x1;
	s6 =	sadd.s32 s7, s20  }
0x9f: {  	s10 =	simm.s32 $0x0;
	s21 =	sshll.u32 s8, $0x1;
	s8 =	sadd.s32 s22, s6  }
0xa0: {  	[timem:s10], [sflag:s23] =	dma.local [hbm:s8], s21  }
0xa1: {  	_ =	swait.ge [sflag:s23], s21  }
0xa2: {  	s7 =	ssub.s32 $0x0, s21;
	[sflag:s23] =	ssyncset.done $0x0  }
0xa3: {  	[sflag:s23] =	ssyncadd.s32 s7;
	_ =	sdelay $0x1  }
0xa4: {  	s24 =	simm.s32 $0x1B8B  }
0xa5: {  	_ =	swait.ge [sflag:s24], $0x1  }
0xa6: {  	[sflag:s24] =	ssyncset.done $0x0  }
0xa7: {  	s25 =	simm.s32 $0x1B8E;
	[sflag:s24] =	ssyncadd.s32 $0xFFFFFFFF  }
0xa8: {  	s26 =	simm.s32 $execute0_lowered;
	[smem:$0x3FD2] =	sst s25  }
0xa9: {  	s7 =	sshll.u32 s26, $0x1;
	_ =	strace $0x80000046;
	[dreg:$0x1] =	wrdreg $0xFFFFFFFF  }
0xaa: {  	s28 =	simm.s32 $_size_execute0_lowered;
	s6 =	sadd.s32 s6, s7;
	[dreg:$0x0] =	wrdreg $0x0  }
0xab: {  	s7 =	sshll.u32 s28, $0x1;
	[dreg:$0x2] =	wrdreg s6  }
0xac: {  	[dreg:$0x3] =	wrdreg s7  }
0xad: {  	[dreg:$0x4] =	wrdreg $0xC0  }
0xae: {  	_ =	task [dreg:s10], $0x5FFFF  }
0xaf: {  	[dreg:$0x1] =	wrdreg $0xFFFFFFFF  }
0xb0: {  	[dreg:$0x0] =	wrdreg $0x60  }
0xb1: {  	[dreg:$0x2] =	wrdreg s2  }
0xb2: {  	[dreg:$0x3] =	wrdreg s19  }
0xb3: {  	[dreg:$0x4] =	wrdreg s4  }
0xb4: {  	[dreg:$0x5] =	wrdreg s5  }
0xb5: {  	[dreg:$0x6] =	wrdreg $0xC0800  }
0xb6: {  	[dreg:$0x7] =	wrdreg $0x9  }
0xb7: {  	_ =	task.clear_ibuf [dreg:s10], $0x8FFFF;
	_ =	strace $0x90000046  }
0xb8: {  	s29 =	simm.s32 $0x9;
	_ =	strace $0x80000048  }
0xb9: {  	_ =	swait.ge [sflag:s29], $0x1  }
0xba: {  	[sflag:s29] =	ssyncadd.s32 $0xFFFFFFFF  }
0xbb: {  	_ =	strace $0x90000048  }
0xbc: {  	_ =	sfence  }
0xbd: {  	s30 =	sld [smem:$0x0];
	_ =	sdelay $0x2  }
0xbe: {  	s31 =	sshll.u32 s1, $0xD;
	s1 =	sshrl.u32 s1, $0x2  }
0xbf: {  	s3 =	sand.u32 $0x4000, s31;
	s1 =	sadd.s32 s1, s30  }
0xc0: {  	s0 =	sor.u32 s3, s0;
	s1 =	sshll.u32 s1, $0x11  }
0xc1: {  	s0 =	sor.u32 s1, s0  }
0xc2: {  	s0 =	sadd.s32 $0x8F2B, s0  }
0xc3: {  	[sflag:s0] =	ssyncadd.remote.s32 $0x1  }
0xc4: {  	_ =	sfence.sel $0xFFFF  }
0xc5: {  	[dreg:$0x0] =	wrdreg $0xFFFFFFFF;
	(pc) =	sbr.abs _section_cstart, $3  }
0xc6: {  	[dreg:$0x1] =	wrdreg $0xFFFFFFFF  }
0xc7: {  	_ =	task.clear_ibuf [dreg:s10], $0x2FFFF;
	_ =	strace $0x9FFFFFFF  }
0xc8: {  	(tm) =	ssettm $0x7FFFFFFF  }
0xc9: {  	_ =	shalt  }
tec
execute0_lowered:
.L_overlay_start_1:
0x0: {  	(tag) =	ssettag $0x1  }
0x1: {  	s0 =	rddreg [dreg:$0x0]  }
0x2: {  	s2 =	rddreg [dreg:$0x1]  }
0x3: {  	s3 =	rddreg [dreg:$0x2]  }
0x4: {  	s4 =	rddreg [dreg:$0x3]  }
0x5: {  	s1 =	srdreg.scid;
	s5 =	rddreg [dreg:$0x4];
	s6 =	simm.s32 $0x0  }
0x6: {  	s7 =	stileid.u32;
	s13 =	simm.s32 $0x1000;
	s14 =	simm.s32 $0xB000  }
0x7: {  	s15 =	simm.s32 $0xB880;
	s16 =	simm.s32 $0x3000;
	s17 =	simm.s32 $0xC880  }
0x8: {  	s18 =	simm.s32 $0x2000;
	s19 =	simm.s32 $0x14880;
	s20 =	simm.s32 $0x0  }
.Ltmp0:
0x9: {  	v3 =	vimm.s32 $0x800;
	s9 =	sand.u32 $0x1, s1;
	s1 =	rddreg [dreg:$0x5];
	(pc) =	sbr.rel .LBB2_1-.Ltmp0, $4  }
0xa: {  	[smem:$0x7FF] =	sst s6;
	s31 =	sshll.u32 s7, $0x10;
	s8 =	ssub.s32 $0x2, s9  }
0xb: {  	v0 =	vlaneseq.u32;
	_ =	strace $0x80000047;
	s12 =	sshll.u32 s9, $0xF;
	s10 =	sshrl.u32 s8, $0x1  }
0xc: {  	v2 =	vimm.f32 $3.051757810e-05;
	v4 =	vimm.s32 $0x0;
	v5 =	vimm.s32 $0x400;
	s11 =	ssub.s32 s8, s10;
	s8 =	sshll.u32 s7, $0xB;
	s10 =	sor.u32 s12, s31  }
0xd: {  	v6 =	vimm.s32 $0xFFFFFFFF;
	v7 =	vimm.f32 $0.0e+00;
	v1 =	vadd.s32 $0x1, v0;
	s12 =	simm.s32 $0x1;
	s9 =	sadd.s32 s8, s5;
	s11 =	smax.u32 s11, $0x1  }
.LBB2_19:
0xe: {  	s20 =	sadd.s32 $0x1, s20  }
0xf: {  	p0 =	sne.s32 s20, s11  }
.Ltmp1:
0x10: {  	_ = 	snop;
	(pc) =	sbr.rel @!p0 .LBB2_20-.Ltmp1, $1  }
0x11: {  	_ =	sdelay $0x3  }
.LBB2_1:
0x12: {  	[tilespmem:s6], [sflag:$0x1] =	stream.linear.gather [hbm4b:s0+s6], $0x1000, $0x38;
	[tilespmem:$0x1C880] =	vst v63  }
0x13: {  	v8 =	vadd.s32 s6, v1;
	_ =	swait.ge [sflag:s12], $0x1000  }
0x14: {  	vm0 =	vlt.s32 v8, $0xFFF;
	[sflag:s12] =	ssyncset.done $0x0  }
0x15: {  	v8 =	vnsel vm0, $0xFFF, v8;
	[sflag:s12] =	ssyncadd.s32 $0xFFFFF000  }
0x16: {  	v9 =	vor.u32 s6, v0;
	[tilespmem:s13], [sflag:$0x1] =	stream.linear.gather [hbm4b:s2+s6], $0x1000, $0x38;
	[tilespmem:$0x1C880] =	vst v63  }
0x17: {  	_ =	swait.ge [sflag:s12], $0x1000  }
0x18: {  	[sflag:s12] =	ssyncset.done $0x0  }
0x19: {  	[sflag:s12] =	ssyncadd.s32 $0xFFFFF000  }
0x1a: {  	v10 =	vld.idx.msk [tilespmem:v8+s6+$0x0], $0xffff  }
0x1b: {  	v11 =	vld.idx.msk [tilespmem:v9+s6+$0x0], $0xffff;
	_ =	sdelay $0x4  }
0x1c: {  	v10 =	vsub.f32 v10, v11;
	_ =	sdelay $0x1  }
0x1d: {  	(erf) = vrcp.f32 v10;
	_ =	sdelay $0x1  }
0x1e: {  	v9 =	vld.idx.msk [tilespmem:v9+s13+$0x0], $0xffff  }
0x1f: {  	v8 =	vld.idx.msk [tilespmem:v8+s13+$0x0], $0xffff;
	_ =	sdelay $0x1  }
0x20: {  	s21 =	simm.s32 $0x10  }
0x21: {  	v10 =	vadd.s32 s21, v1  }
0x22: {  	vm0 =	vlt.s32 v10, $0xFFF  }
0x23: {  	v8 =	vsub.f32 v8, v9;
	v11 =	vnsel vm0, $0xFFF, v10  }
0x24: {  	v9 =	vor.u32 s21, v0;
	v10 =	vpop (erf)  }
0x25: {  	v8 =	vmul.f32 v8, v10;
	_ =	sdelay $0x1  }
0x26: {  	[tilespmem:s18+$0x0] =	vst v8  }
0x27: {  	v8 =	vld.idx.msk [tilespmem:v11+s6+$0x0], $0xffff  }
0x28: {  	v10 =	vld.idx.msk [tilespmem:v9+s6+$0x0], $0xffff;
	_ =	sdelay $0x4  }
0x29: {  	v12 =	vsub.f32 v8, v10;
	_ =	sdelay $0x1  }
0x2a: {  	(erf) = vrcp.f32 v12;
	_ =	sdelay $0x1  }
0x2b: {  	v8 =	vld.idx.msk [tilespmem:v9+s13+$0x0], $0xffff  }
0x2c: {  	v9 =	vld.idx.msk [tilespmem:v11+s13+$0x0], $0xffff;
	_ =	sdelay $0x1  }
0x2d: {  	s22 =	simm.s32 $0x20  }
0x2e: {  	v10 =	vadd.s32 s22, v1  }
0x2f: {  	s24 =	simm.s32 $0x30;
	s23 =	simm.s32 $0x2000;
	vm0 =	vlt.s32 v10, $0xFFF  }
.LBB2_2:
0x30: {  	p0 =	sne.s32 s24, $0xFF0;
	v10 =	vnsel vm0, $0xFFF, v10;
	v8 =	vsub.f32 v9, v8  }
0x31: {  	v9 =	vor.u32 s22, v0;
	s22 =	smov.u32 s24;
	v11 =	vpop (erf)  }
0x32: {  	v8 =	vmul.f32 v8, v11  }
0x33: {  	s23 =	sadd.s32 $0x10, s23  }
0x34: {  	s21 =	simm.s32 $0x0;
	[tilespmem:s23+$0x0] =	vst v8  }
0x35: {  	v8 =	vld.idx.msk [tilespmem:v10+s21+$0x0], $0xffff  }
0x36: {  	v11 =	vld.idx.msk [tilespmem:v9+s21+$0x0], $0xffff;
	_ =	sdelay $0x5  }
0x37: {  	v8 =	vsub.f32 v8, v11;
	_ =	sdelay $0x1  }
0x38: {  	(erf) = vrcp.f32 v8  }
0x39: {  	v8 =	vld.idx.msk [tilespmem:v9+s13+$0x0], $0xffff  }
0x3a: {  	v9 =	vld.idx.msk [tilespmem:v10+s13+$0x0], $0xffff  }
.Ltmp2:
0x3b: {  	(pc) =	sbr.rel @p0 .LBB2_2-.Ltmp2, $3  }
0x3c: {  	_ =	sdelay $0x1  }
0x3d: {  	v10 =	vadd.s32 s24, v1  }
0x3e: {  	s24 =	sadd.s32 $0x10, s24;
	vm0 =	vlt.s32 v10, $0xFFF  }
0x3f: {  	v10 =	vnsel vm0, $0xFFF, v10;
	v8 =	vsub.f32 v9, v8  }
0x40: {  	v60 =	vor.u32 s22, v0;
	v11 =	vpop (erf)  }
0x41: {  	v8 =	vmul.f32 v8, v11  }
0x42: {  	s31 =	sadd.s32 $0x10, s23  }
0x43: {  	[tilespmem:s31+$0x0] =	vst v8  }
0x44: {  	v8 =	vld.idx.msk [tilespmem:v10+s21+$0x0], $0xffff  }
0x45: {  	v61 =	vld.idx.msk [tilespmem:v60+s21+$0x0], $0xffff;
	_ =	sdelay $0x4  }
0x46: {  	v8 =	vsub.f32 v8, v61;
	_ =	sdelay $0x1  }
0x47: {  	(erf) = vrcp.f32 v8;
	_ =	sdelay $0x1  }
0x48: {  	v62 =	vld.idx.msk [tilespmem:v10+s13+$0x0], $0xffff  }
0x49: {  	v8 =	vld.idx.msk [tilespmem:v60+s13+$0x0], $0xffff;
	_ =	sdelay $0x4  }
0x4a: {  	v8 =	vsub.f32 v62, v8  }
0x4b: {  	v63 =	vpop (erf)  }
0x4c: {  	v8 =	vmul.f32 v8, v63  }
0x4d: {  	s22 =	sadd.s32 $0x10, s31  }
0x4e: {  	s23 =	simm.s32 $0x0;
	[tilespmem:s22+$0x0] =	vst v8;
	s22 =	smov.u32 s8  }
.LBB2_4:
0x4f: {  	v8 =	vor.u32 s22, v0;
	v9 =	vld.idx.msk [tilespmem:v3+s21+$0x0], $0xffff  }
0x50: {  	v8 =	vcvt.s32.f32 v8;
	_ =	sdelay $0x1  }
0x51: {  	v8 =	vmul.f32 v2, v8;
	_ =	sdelay $0x1  }
0x52: {  	vm0 =	vge.f32 v8, v9  }
0x53: {  	v9 =	vsel vm0, $0xC00, v5;
	_ =	sdelay $0x4  }
0x54: {  	v10 =	vld.idx.msk [tilespmem:v9+s21+$0x0], $0xffff;
	_ =	sdelay $0x4  }
0x55: {  	v11 =	vsel vm0, $0x1000, v3;
	vm1 =	vge.f32 v8, v10  }
0x56: {  	v52 =	vsel vm0, $0x800, v4;
	v11 =	vsel vm1, v11, v9  }
0x57: {  	v9 =	vsel vm1, v9, v52;
	v53 =	vadd.s32 v6, v11  }
0x58: {  	v12 =	vxor.u32 v53, v9  }
0x59: {  	v10 =	vor.u32 v53, v9;
	v12 =	vshrl.u32 v12, $0x1  }
0x5a: {  	v10 =	vsub.s32 v10, v12;
	_ =	sdelay $0x4  }
0x5b: {  	v12 =	vld.idx.msk [tilespmem:v10+s21+$0x0], $0xffff;
	_ =	sdelay $0x4  }
0x5c: {  	vm6 =	vge.f32 v8, v12  }
0x5d: {  	v11 =	vsel vm6, v11, v10  }
0x5e: {  	v9 =	vsel vm6, v10, v9;
	v54 =	vadd.s32 v6, v11  }
0x5f: {  	v55 =	vxor.u32 v54, v9  }
0x60: {  	v10 =	vor.u32 v54, v9;
	v12 =	vshrl.u32 v55, $0x1  }
0x61: {  	v10 =	vsub.s32 v10, v12  }
0x62: {  	v12 =	vand.u32 $0x7F, v10  }
0x63: {  	v12 =	vadd.s32 v10, v12;
	_ =	sdelay $0x4  }
0x64: {  	v12 =	vld.idx.msk [tilespmem:v12+s21+$0x0], $0xffff;
	_ =	sdelay $0x4  }
0x65: {  	vm7 =	vge.f32 v8, v12  }
0x66: {  	v9 =	vsel vm7, v10, v9;
	v10 =	vsel vm7, v11, v10  }
0x67: {  	v11 =	vxor.u32 v10, v9  }
0x68: {  	v56 =	vand.u32 v10, v9;
	v11 =	vshrl.u32 v11, $0x1  }
0x69: {  	v11 =	vadd.s32 v11, v56;
	_ =	sdelay $0x4  }
0x6a: {  	v12 =	vld.idx.msk [tilespmem:v11+s21+$0x0], $0xffff;
	_ =	sdelay $0x4  }
0x6b: {  	vm8 =	vge.f32 v8, v12  }
0x6c: {  	v9 =	vsel vm8, v11, v9;
	v10 =	vsel vm8, v10, v11  }
0x6d: {  	v11 =	vadd.s32 v10, v9  }
0x6e: {  	v11 =	vshrl.u32 v11, $0x1;
	_ =	sdelay $0x4  }
0x6f: {  	v57 =	vld.idx.msk [tilespmem:v11+s21+$0x0], $0xffff;
	_ =	sdelay $0x4  }
0x70: {  	vm9 =	vge.f32 v8, v57  }
0x71: {  	v9 =	vsel vm9, v11, v9;
	v10 =	vsel vm9, v10, v11  }
0x72: {  	v11 =	vadd.s32 v10, v9  }
0x73: {  	v11 =	vshrl.u32 v11, $0x1;
	_ =	sdelay $0x4  }
0x74: {  	v58 =	vld.idx.msk [tilespmem:v11+s21+$0x0], $0xffff;
	_ =	sdelay $0x4  }
0x75: {  	vm10 =	vge.f32 v8, v58  }
0x76: {  	v9 =	vsel vm10, v11, v9;
	v10 =	vsel vm10, v10, v11  }
0x77: {  	v11 =	vadd.s32 v10, v9  }
0x78: {  	v11 =	vshrl.u32 v11, $0x1;
	_ =	sdelay $0x4  }
0x79: {  	v59 =	vld.idx.msk [tilespmem:v11+s21+$0x0], $0xffff;
	_ =	sdelay $0x4  }
0x7a: {  	vm11 =	vge.f32 v8, v59  }
0x7b: {  	v9 =	vsel vm11, v11, v9;
	v10 =	vsel vm11, v10, v11  }
0x7c: {  	v11 =	vadd.s32 v10, v9  }
0x7d: {  	v11 =	vshrl.u32 v11, $0x1;
	_ =	sdelay $0x4  }
0x7e: {  	v60 =	vld.idx.msk [tilespmem:v11+s21+$0x0], $0xffff;
	_ =	sdelay $0x4  }
0x7f: {  	vm12 =	vge.f32 v8, v60  }
0x80: {  	v9 =	vsel vm12, v11, v9;
	v10 =	vsel vm12, v10, v11  }
0x81: {  	v11 =	vadd.s32 v10, v9  }
0x82: {  	v11 =	vshrl.u32 v11, $0x1;
	_ =	sdelay $0x4  }
0x83: {  	v61 =	vld.idx.msk [tilespmem:v11+s21+$0x0], $0xffff;
	_ =	sdelay $0x4  }
0x84: {  	vm13 =	vge.f32 v8, v61  }
0x85: {  	v9 =	vsel vm13, v11, v9;
	v10 =	vsel vm13, v10, v11  }
0x86: {  	v11 =	vadd.s32 v10, v9  }
0x87: {  	v11 =	vshrl.u32 v11, $0x1;
	_ =	sdelay $0x4  }
0x88: {  	v62 =	vld.idx.msk [tilespmem:v11+s21+$0x0], $0xffff;
	_ =	sdelay $0x4  }
0x89: {  	vm14 =	vge.f32 v8, v62  }
0x8a: {  	v9 =	vsel vm14, v11, v9;
	v10 =	vsel vm14, v10, v11  }
0x8b: {  	v10 =	vadd.s32 v10, v9  }
0x8c: {  	v10 =	vshrl.u32 v10, $0x1;
	_ =	sdelay $0x4  }
0x8d: {  	v63 =	vld.idx.msk [tilespmem:v10+s21+$0x0], $0xffff;
	_ =	sdelay $0x1  }
0x8e: {  	p0 =	sne.s32 s23, $0x2000  }
.Ltmp3:
0x8f: {  	_ = 	snop;
	(pc) =	sbr.rel @p0 .LBB2_4-.Ltmp3, $4  }
0x90: {  	_ = 	snop  }
0x91: {  	vm15 =	vge.f32 v8, v63  }
0x92: {  	s24 =	sshra.s32 s23, $0x2;
	v8 =	vsel vm15, v10, v9  }
0x93: {  	s22 =	sadd.s32 $0x10, s22;
	s23 =	sadd.s32 $0x40, s23;
	[tilespmem:s24+$0xB000] =	vst v8  }
0x94: {  	p2 =	por $0x1, $0x1  }
.Ltmp4:
0x95: {  	_ = 	snop;
	(pc) =	sbr.rel @!p2 .LBB2_6-.Ltmp4, $3  }
0x96: {  	_ =	sdelay $0x1  }
0x97: {  	s23 =	simm.s32 $0xB000;
	s22 =	simm.s32 $0xB880  }
0x98: {  	v8 =	vadd.s32 s21, v1;
	s21 =	simm.s32 $0x10;
	p0 =	por $0x0, $0x0;
	p1 =	por $0x0, $0x0  }
0x99: {  	_ =	sdelay $0x3  }
0x9a: {  	v10 =	vld.idx.msk [tilespmem:v8+s14+$0x0], $0xffff  }
0x9b: {  	v9 =	vld [tilespmem:s23+$0x0];
	p2 =	por $0x1, $0x1  }
.Ltmp5:
0x9c: {  	_ = 	snop;
	(pc) =	sbr.rel @!p2 .LBB2_8-.Ltmp5, $2  }
0x9d: {  	_ =	sdelay $0x2  }
0x9e: {  	v8 =	vadd.s32 s21, v1;
	s24 =	simm.s32 $0x20;
	p0 =	por $0x1, $0x1;
	v10 =	vsub.s32 v10, v9  }
0x9f: {  	v10 =	vshll.u32 v10, $0x10  }
0xa0: {  	v10 =	vadd.s32 $0x10000, v10  }
0xa1: {  	v9 =	vor.u32 v9, v10  }
0xa2: {  	[tilespmem:s22+$0x0] =	vst v9  }
0xa3: {  	s21 =	simm.s32 $0xB010;
	v10 =	vld.idx.msk [tilespmem:v8+s14+$0x0], $0xffff  }
0xa4: {  	p2 =	por $0x1, $0x1;
	v9 =	vld [tilespmem:s21+$0x0]  }
.Ltmp6:
0xa5: {  	_ = 	snop;
	(pc) =	sbr.rel @!p2 .LBB2_10-.Ltmp6, $2  }
0xa6: {  	_ =	sdelay $0x2  }
0xa7: {  	s25 =	simm.s32 $0x30;
	p1 =	por $0x1, $0x1;
	v8 =	vadd.s32 s24, v1;
	s24 =	simm.s32 $0xB880;
	v10 =	vsub.s32 v10, v9  }
.LBB2_11:
0xa8: {  	p2 =	sne.s32 s25, $0x7F0;
	v10 =	vshll.u32 v10, $0x10  }
0xa9: {  	v10 =	vadd.s32 $0x10000, v10  }
0xaa: {  	s24 =	sadd.s32 $0x10, s24;
	v9 =	vor.u32 v9, v10  }
0xab: {  	[tilespmem:s24+$0x0] =	vst v9  }
0xac: {  	s21 =	sadd.s32 $0x10, s21;
	v10 =	vld.idx.msk [tilespmem:v8+s14+$0x0], $0xffff  }
0xad: {  	v9 =	vld [tilespmem:s21+$0x0]  }
.Ltmp7:
0xae: {  	(pc) =	sbr.rel @p2 .LBB2_11-.Ltmp7, $2  }
0xaf: {  	_ =	sdelay $0x2  }
0xb0: {  	v8 =	vadd.s32 s25, v1;
	s25 =	sadd.s32 $0x10, s25;
	v10 =	vsub.s32 v10, v9  }
.LBB2_12:
0xb1: {  	v10 =	vshll.u32 @p0 v10, $0x10  }
0xb2: {  	s24 =	sadd.s32 @p1 $0x10, s24;
	s25 =	simm.s32 $0xB880;
	v10 =	vadd.s32 @p0 $0x10000, v10  }
0xb3: {  	s25 =	smov.u32 @p1 s24;
	v9 =	vor.u32 @p0 v9, v10  }
0xb4: {  	s21 =	sadd.s32 @p0 $0x10, s21;
	[tilespmem:s25+$0x0] =	vst @p0 v9  }
0xb5: {  	s23 =	smov.u32 @p0 s21;
	v8 =	vld.idx.msk [tilespmem:v8+s14+$0x0], $0xffff  }
0xb6: {  	v9 =	vld [tilespmem:s23+$0x0];
	_ =	sdelay $0x4  }
0xb7: {  	v8 =	vsub.s32 v8, v9  }
0xb8: {  	v8 =	vshll.u32 v8, $0x10  }
0xb9: {  	s21 =	sadd.s32 @p0 $0x10, s25;
	v8 =	vadd.s32 $0x10000, v8  }
0xba: {  	s22 =	smov.u32 @p0 s21;
	v8 =	vor.u32 v9, v8  }
0xbb: {  	[tilespmem:s22+$0x0] =	vst v8  }
0xbc: {  	[spmem:s9] =	stream.linear.scatter [tilespmem:s15], [sflag:$0x1], $0x800, $0x38;
	[tilespmem:$0x1C880] =	vst v63  }
0xbd: {  	_ =	swait.ge [sflag:s12], $0x800  }
0xbe: {  	[sflag:s12] =	ssyncset.done $0x0  }
0xbf: {  	[sflag:s12] =	ssyncadd.s32 $0xFFFFF800  }
.Ltmp8:
0xc0: {  	[bflag:$0x0] =	sbarrier.arrive $0xFFFF;
	(pc) =	sbr.rel .LBB2_13-.Ltmp8, $4  }
0xc1: {  	[tilespmem:s16], [sflag:$0x1] =	stream.linear.gather [spmem:s5], $0x8000, $0x38;
	[tilespmem:$0x1C880] =	vst v63  }
0xc2: {  	_ =	swait.ge [sflag:s12], $0x8000  }
0xc3: {  	[sflag:s12] =	ssyncset.done $0x0  }
0xc4: {  	s21 =	simm.s32 $0x0;
	s22 =	simm.s32 $0x0;
	[sflag:s12] =	ssyncadd.s32 $0xFFFF8000  }
.LBB2_18:
0xc5: {  	s22 =	sadd.s32 $0x1, s22  }
0xc6: {  	p0 =	sne.s32 s22, $0x8  }
.Ltmp9:
0xc7: {  	s23 =	sadd.s32 s4, s23;
	(pc) =	sbr.rel @!p0 .LBB2_19-.Ltmp9, $4  }
0xc8: {  	[hbm4b:s23+s6] =	stream.linear.scatter [tilespmem:s19], [sflag:$0x1], $0x8000, $0x38;
	[tilespmem:$0x1C880] =	vst v63  }
0xc9: {  	_ =	swait.ge [sflag:s12], $0x8000  }
0xca: {  	[sflag:s12] =	ssyncset.done $0x0  }
0xcb: {  	[sflag:s12] =	ssyncadd.s32 $0xFFFF8000  }
.LBB2_13:
0xcc: {  	s23 =	sshll.u32 s22, $0xC  }
0xcd: {  	s23 =	sadd.s32 s10, s23  }
.Ltmp10:
0xce: {  	s24 =	sadd.s32 s3, s23;
	(pc) =	sbr.rel .LBB2_14-.Ltmp10, $4  }
0xcf: {  	[tilespmem:s17], [sflag:$0x1] =	stream.linear.gather [hbm4b:s24+s21], $0x8000, $0x38;
	[tilespmem:$0x1C880] =	vst v63  }
0xd0: {  	_ =	swait.ge [sflag:s12], $0x8000  }
0xd1: {  	[sflag:s12] =	ssyncset.done $0x0  }
0xd2: {  	s24 =	simm.s32 $0x0;
	[sflag:s12] =	ssyncadd.s32 $0xFFFF8000  }
.LBB2_17:
0xd3: {  	_ =	sdelay $0x3  }
0xd4: {  	v10 =	vld.idx.msk [tilespmem:v9+s6+$0x0], $0xffff;
	_ =	sdelay $0x1  }
0xd5: {  	v11 =	vld.idx.msk [tilespmem:v9+s18+$0x0], $0xffff;
	_ =	sdelay $0x1  }
0xd6: {  	v63 =	vld.idx.msk [tilespmem:v9+s13+$0x0], $0xffff  }
0xd7: {  	s24 =	sadd.s32 $0x1, s24;
	v8 =	vsub.f32 v8, v10  }
0xd8: {  	p0 =	sne.s32 s24, $0x800  }
.Ltmp11:
0xd9: {  	v8 =	vmul.f32 v11, v8;
	(pc) =	sbr.rel @!p0 .LBB2_18-.Ltmp11, $3  }
0xda: {  	_ = 	snop  }
0xdb: {  	v8 =	vadd.f32 v8, v63;
	_ =	sdelay $0x1  }
0xdc: {  	[tilespmem:s25+$0x14880] =	vst v8  }
.LBB2_14:
0xdd: {  	s25 =	sshll.u32 s24, $0x4  }
0xde: {  	v8 =	vld [tilespmem:s25+$0xC880];
	_ =	sdelay $0x4  }
0xdf: {  	v9 =	vmul.f32 $3.276800000e+04, v8;
	_ =	sdelay $0x1  }
0xe0: {  	v9 =	vtrunc.f32 v9  }
0xe1: {  	v9 =	vcvt.f32.s32 v9;
	_ =	sdelay $0x5  }
0xe2: {  	v9 =	vld.idx.msk [tilespmem:v9+s16+$0x0], $0xffff;
	_ =	sdelay $0x4  }
0xe3: {  	v10 =	vshra.s32 v9, $0x10  }
0xe4: {  	vm0 =	vgt.s32 v10, $0x1  }
0xe5: {  	v11 =	vsel vm0, $0x3F800000, v7  }
0xe6: {  	(xrf0) =	vmax.scan.msk.f32 $0xffff, v11;
	_ =	sdelay $0x5  }
0xe7: {  	v11, _, _ =	vpop (xrf0)  }
0xe8: {  	(v2sf) =	vpush v11, $0xF;
	_ =	sdelay $0xe  }
0xe9: {  	s26 =	spop (v2sf)  }
0xea: {  	p0 =	sgt.f32 s26, $0.0e+00  }
.Ltmp12:
0xeb: {  	_ = 	snop;
	(pc) =	sbr.rel @!p0 .LBB2_17-.Ltmp12, $2  }
0xec: {  	_ =	sdelay $0x2  }
0xed: {  	v9 =	vand.u32 $0xFFFF, v9  }
0xee: {  	v10 =	vadd.s32 v10, v9  }
.LBB2_16:
0xef: {  	v11 =	vadd.s32 v9, v10  }
0xf0: {  	v11 =	vshra.s32 v11, $0x1;
	_ =	sdelay $0x4  }
0xf1: {  	v12 =	vld.idx.msk [tilespmem:v11+s6+$0x0], $0xffff;
	_ =	sdelay $0x4  }
0xf2: {  	vm0 =	vge.f32 v8, v12  }
0xf3: {  	v9 =	vsel vm0, v11, v9;
	v10 =	vsel vm0, v10, v11  }
0xf4: {  	v11 =	vsub.s32 v10, v9  }
0xf5: {  	vm15 =	vgt.s32 v11, $0x1  }
0xf6: {  	v11 =	vsel vm15, $0x3F800000, v7  }
0xf7: {  	(xrf0) =	vmax.scan.msk.f32 $0xffff, v11;
	_ =	sdelay $0x5  }
0xf8: {  	v11, _, _ =	vpop (xrf0)  }
0xf9: {  	(v2sf) =	vpush v11, $0xF;
	_ =	sdelay $0xe  }
0xfa: {  	s26 =	spop (v2sf)  }
0xfb: {  	p0 =	sgt.f32 s26, $0.0e+00  }
.Ltmp13:
0xfc: {  	_ = 	snop;
	(pc) =	sbr.rel @p0 .LBB2_16-.Ltmp13, $1  }
0xfd: {  	_ =	sdelay $0x3  }
.Ltmp14:
0xfe: {  	_ = 	snop;
	(pc) =	sbr.rel .LBB2_17-.Ltmp14, $1  }
0xff: {  	_ =	sdelay $0x3  }
.LBB2_6:
.Ltmp15:
0x100: {  	(pc) =	sbr.rel .LBB2_12-.Ltmp15, $2  }
0x101: {  	_ =	sdelay $0x2  }
0x102: {  	s24 =	simm.s32 $0xB880;
	s21 =	simm.s32 $0xB000  }
.LBB2_8:
.Ltmp16:
0x103: {  	(pc) =	sbr.rel .LBB2_12-.Ltmp16, $2  }
0x104: {  	_ =	sdelay $0x2  }
0x105: {  	s24 =	simm.s32 $0xB880;
	s21 =	simm.s32 $0xB000  }
.LBB2_10:
.Ltmp17:
0x106: {  	(pc) =	sbr.rel .LBB2_12-.Ltmp17, $2  }
0x107: {  	_ =	sdelay $0x2  }
0x108: {  	s24 =	simm.s32 $0xB880  }
.LBB2_20:
0x109: {  	_ =	sfence.sel $0x180000  }
0x10a: {  	[bflag:$0x0] =	sbarrier.arrive $0xFFFF  }
0x10b: {  	p0 =	sne.s32 s7, $0x0;
	_ =	strace $0x90000047  }
0x10c: {  	s0 =	sadd.s32 @!p0 $0x100000, s1;
	[bflag:$0x2] =	sbarrier.arrive $0xFFFF  }
0x10d: {  	[sflag:s0] =	ssyncadd.tile.s32 @!p0 $0x1;
	_ =	shalt  }
.Lfunc_end2:
_tile_overlayer_lowered:
.L_overlay_start_2:
0x10e: {  	(tag) =	ssettag $0x2  }
0x10f: {  	s0 =	rddreg [dreg:$0x0];
	s2 =	stileid.u32  }
0x110: {  	s1 =	rddreg [dreg:$0x1];
	p0 =	sne.s32 s2, $0x0  }
0x111: {  	s3 =	rddreg [dreg:$0x2];
	[bflag:$0x3] =	sbarrier.arrive $0xFFFF;
	s2 =	simm.s32 @!p0 $0x1C01  }
0x112: {  	[timem:s3], [sflag:s2] =	dma.local @!p0 [hbm:s0], s1  }
0x113: {  	s0 =	simm.s32 @!p0 $0x1  }
0x114: {  	_ =	swait.ge @!p0 [sflag:s0], s1  }
0x115: {  	s1 =	ssub.s32 @!p0 $0x0, s1;
	[sflag:s0] =	ssyncset.done @!p0 $0x0  }
0x116: {  	[sflag:s0] =	ssyncadd.s32 @!p0 s1  }
0x117: {  	[bflag:$0x3] =	sbarrier.arrive $0xFFFF  }
0x118: {  	_ =	shalt  }

</sc_bundles>
